<compile_context>
chip_gen: v7x
topology: tpu7x:2x2x1
jax: 0.10.2.dev20260603
libtpu: 0.0.44.dev20260713+nightly
codegen_flags: <defaults>
</compile_context>

<pallas_src>
import functools

import jax
import jax.numpy as jnp
from jax import lax
from jax.experimental import pallas as pl
from jax.experimental.pallas import tpu as pltpu
from jax.experimental.pallas import tpu_sc as plsc

_L = 16
_NCLS = 1024
_BATCH = 16384
_NC = 1
_NSUB = 16
_NW = _NC * _NSUB
_CHUNK = _BATCH // _NW
_VECS = _CHUNK // _L

_mesh = plsc.VectorSubcoreMesh(
    core_axis_name="c", subcore_axis_name="s", num_cores=_NC)


@functools.partial(
    pl.kernel,
    out_type=jax.ShapeDtypeStruct((_NW, 2 * _NCLS), jnp.int32),
    mesh=_mesh,
    compiler_params=pltpu.CompilerParams(needs_layout_passes=False),
    scratch_types=[
        pltpu.VMEM((_CHUNK,), jnp.int32),
        pltpu.VMEM((_CHUNK,), jnp.int32),
        pltpu.VMEM((2 * _NCLS,), jnp.int32),
        pltpu.SemaphoreType.DMA,
    ],
)
def _precision_hist(yt_hbm, yp_hbm, part_hbm, predv, truev, histv, dsem):
    wid = lax.axis_index("s") * _NC + lax.axis_index("c")
    base = wid * _CHUNK

    in_cp1 = pltpu.async_copy(yp_hbm.at[pl.ds(base, _CHUNK)], predv, dsem)
    in_cp2 = pltpu.async_copy(yt_hbm.at[pl.ds(base, _CHUNK)], truev, dsem)

    zeros = jnp.zeros((_L,), jnp.int32)

    @plsc.parallel_loop(0, 2 * _NCLS // _L, unroll=8)
    def _zero_body(i):
        histv[pl.ds(i * _L, _L)] = zeros

    in_cp1.wait()
    in_cp2.wait()

    @plsc.parallel_loop(0, _VECS, unroll=4)
    def _hist_body(i):
        p = predv[pl.ds(i * _L, _L)]
        t = truev[pl.ds(i * _L, _L)]
        rc_all, last_all = plsc.scan_count(p)
        plsc.addupdate_scatter(histv, [p], rc_all, mask=last_all)
        rc_tp, last_tp = plsc.scan_count(p, mask=p == t)
        plsc.addupdate_scatter(histv, [p + _NCLS], rc_tp, mask=last_tp)

    pltpu.sync_copy(histv, part_hbm.at[wid])


def _combine_body(part_ref, out_ref):
    part = part_ref[...].astype(jnp.float32)
    cnt = jnp.sum(part[:, :_NCLS], axis=0, keepdims=True)
    tp = jnp.sum(part[:, _NCLS:], axis=0, keepdims=True)
    valid = cnt > 0.0
    prec = tp / jnp.where(valid, cnt, 1.0)
    s_tot = jnp.sum(jnp.where(valid, prec, 0.0))
    n_tot = jnp.sum(jnp.where(valid, 1.0, 0.0))
    out_ref[...] = jnp.full((1, 1), s_tot / n_tot, jnp.float32)


_precision_combine = pl.pallas_call(
    _combine_body,
    out_shape=jax.ShapeDtypeStruct((1, 1), jnp.float32),
)


def kernel(y_true, y_pred):
    part = _precision_hist(y_true, y_pred)
    out = _precision_combine(part)
    return out[0, 0]

# --- scband reference (transcript-rebuilt; emitter-appended) ---
"""Pipeline reference for scband-precision-69853348102280 (READ-ONLY COPY).

The authoritative reference and input builder live on the scoring server;
editing this copy changes nothing except your own understanding.
"""

import jax, jax.numpy as jnp
import numpy as np

NUM_CLASSES = 1000
BATCH = 16384

def setup_inputs(seed: int = 0) -> dict:
    key = jax.random.key(seed)
    k1, k2 = jax.random.split(key)
    y_true = jax.random.randint(k1, (BATCH,), 0, NUM_CLASSES, dtype=jnp.int64 if jax.config.jax_enable_x64 else jnp.int32)
    y_pred = jax.random.randint(k2, (BATCH,), 0, NUM_CLASSES, dtype=jnp.int64 if jax.config.jax_enable_x64 else jnp.int32)
    return {"y_true": y_true, "y_pred": y_pred}

def reference(y_true, y_pred):
    # one-hot via scatter-overwrite, matching torch .scatter_(1, idx.unsqueeze(1), 1)
    n = y_true.shape[0]
    rows = jnp.arange(n)
    true_oh = jnp.zeros((n, NUM_CLASSES), dtype=jnp.float32).at[rows, y_true].set(1.0)
    pred_oh = jnp.zeros((n, NUM_CLASSES), dtype=jnp.float32).at[rows, y_pred].set(1.0)
    # USE_MEAN branch: per-class tp/fp then nanmean over classes
    tp = jnp.sum(true_oh * pred_oh, axis=0)
    fp = jnp.sum((1.0 - true_oh) * pred_oh, axis=0)
    prec = tp / (tp + fp)
    return jnp.nanmean(prec)

if __name__ == "__main__":
    import jax
    _d = setup_inputs()
    print(jax.jit(kernel)(*tuple(_d.values())))

</pallas_src>

<mosaic_0001>
#map = affine_map<(d0, d1) -> (0)>
#map1 = affine_map<(d0, d1) -> (0, 0)>
module attributes {stable_mosaic.version = 14 : i64} {
  func.func @_precision_hist(%arg0: i32, %arg1: i32, %arg2: memref<16384xi32, #tpu.memory_space<hbm>>, %arg3: memref<16384xi32, #tpu.memory_space<hbm>>, %arg4: memref<16x2048xi32, #tpu.memory_space<hbm>>, %arg5: memref<1024xi32, #tpu.memory_space<vmem>>, %arg6: memref<1024xi32, #tpu.memory_space<vmem>>, %arg7: memref<2048xi32, #tpu.memory_space<vmem>>, %arg8: memref<!tpu.dma_semaphore, #tpu.memory_space<semaphore_mem>>) attributes {dimension_semantics = [#tpu.dimension_semantics<core_parallel>, #tpu.dimension_semantics<subcore_parallel>], iteration_bounds = array<i64: 1, 16>, scalar_prefetch = 0 : i64, scratch_operands = 4 : i64, tpu.core_type = #tpu.core_type<sc_vector_subcore>, window_params = [{transform_indices = #map}, {transform_indices = #map}, {transform_indices = #map1}]} {
    %mul3A = arith.constant 1 : i32
    %mul3A_0 = arith.muli %arg1, %mul3A : i32
    %add3A = arith.addi %mul3A_0, %arg0 : i32
    %mul3A_1 = arith.constant 1024 : i32
    %mul3A_2 = arith.muli %add3A, %mul3A_1 : i32
    %dma_start3A = tpu.memref_slice %arg3[%mul3A_2] : memref<16384xi32, #tpu.memory_space<hbm>> -> memref<1024xi32, #tpu.memory_space<hbm>>
    %dma_start3A_3 = tpu.memref_slice %arg3[%mul3A_2] : memref<16384xi32, #tpu.memory_space<hbm>> -> memref<1024xi32, #tpu.memory_space<hbm>>
    tpu.enqueue_dma source(%dma_start3A_3 : memref<1024xi32, #tpu.memory_space<hbm>>) target(%arg5 : memref<1024xi32, #tpu.memory_space<vmem>>) target_semaphore(%arg8 : memref<!tpu.dma_semaphore, #tpu.memory_space<semaphore_mem>>)
    %dma_start3A_4 = tpu.memref_slice %arg2[%mul3A_2] : memref<16384xi32, #tpu.memory_space<hbm>> -> memref<1024xi32, #tpu.memory_space<hbm>>
    %dma_start3A_5 = tpu.memref_slice %arg2[%mul3A_2] : memref<16384xi32, #tpu.memory_space<hbm>> -> memref<1024xi32, #tpu.memory_space<hbm>>
    tpu.enqueue_dma source(%dma_start3A_5 : memref<1024xi32, #tpu.memory_space<hbm>>) target(%arg6 : memref<1024xi32, #tpu.memory_space<vmem>>) target_semaphore(%arg8 : memref<!tpu.dma_semaphore, #tpu.memory_space<semaphore_mem>>)
    %broadcast_in_dim3A = arith.constant 0 : i32
    %broadcast_in_dim3A_6 = vector.broadcast %broadcast_in_dim3A : i32 to vector<16xi32>
    %parallel_loop3A = arith.constant 0 : i32
    %parallel_loop3A_7 = arith.constant 128 : i32
    %parallel_loop3A_8 = arith.constant 1 : i32
    scf.for %parallel_loop3A_15 = %parallel_loop3A to %parallel_loop3A_7 step %parallel_loop3A_8  : i32 {
      %parallel_loop3A_16 = arith.constant 16 : i32
      %parallel_loop3A_17 = arith.muli %parallel_loop3A_15, %parallel_loop3A_16 : i32
      %parallel_loop3A_18 = arith.index_cast %parallel_loop3A_17 : i32 to index
      %parallel_loop3A_19 = tpu.vector_load %arg7[%parallel_loop3A_18] {strides = array<i32>} : memref<2048xi32, #tpu.memory_space<vmem>>, vector<16xi32>,
      tpu.vector_store %arg7[%parallel_loop3A_18], %broadcast_in_dim3A_6 {strides = array<i32>} : memref<2048xi32, #tpu.memory_space<vmem>>, vector<16xi32>,
    } {sc.loop_unroll_factor = 8 : i64, sc.parallel_access}
    %dma_wait3A = tpu.memref_slice %arg3[%mul3A_2] : memref<16384xi32, #tpu.memory_space<hbm>> -> memref<1024xi32, #tpu.memory_space<hbm>>
    %dma_wait3A_9 = tpu.memref_slice %arg3[%mul3A_2] : memref<16384xi32, #tpu.memory_space<hbm>> -> memref<1024xi32, #tpu.memory_space<hbm>>
    tpu.wait_dma2 semaphore(%arg8 : memref<!tpu.dma_semaphore, #tpu.memory_space<semaphore_mem>>) src(%dma_wait3A_9 : memref<1024xi32, #tpu.memory_space<hbm>>) dst(%arg5 : memref<1024xi32, #tpu.memory_space<vmem>>)
    %dma_wait3A_10 = tpu.memref_slice %arg2[%mul3A_2] : memref<16384xi32, #tpu.memory_space<hbm>> -> memref<1024xi32, #tpu.memory_space<hbm>>
    %dma_wait3A_11 = tpu.memref_slice %arg2[%mul3A_2] : memref<16384xi32, #tpu.memory_space<hbm>> -> memref<1024xi32, #tpu.memory_space<hbm>>
    tpu.wait_dma2 semaphore(%arg8 : memref<!tpu.dma_semaphore, #tpu.memory_space<semaphore_mem>>) src(%dma_wait3A_11 : memref<1024xi32, #tpu.memory_space<hbm>>) dst(%arg6 : memref<1024xi32, #tpu.memory_space<vmem>>)
    %parallel_loop3A_12 = arith.constant 0 : i32
    %parallel_loop3A_13 = arith.constant 64 : i32
    %parallel_loop3A_14 = arith.constant 1 : i32
    scf.for %parallel_loop3A_15 = %parallel_loop3A_12 to %parallel_loop3A_13 step %parallel_loop3A_14  : i32 {
      %parallel_loop3A_16 = arith.constant 16 : i32
      %parallel_loop3A_17 = arith.muli %parallel_loop3A_15, %parallel_loop3A_16 : i32
      %parallel_loop3A_18 = arith.index_cast %parallel_loop3A_17 : i32 to index
      %parallel_loop3A_19 = tpu.vector_load %arg5[%parallel_loop3A_18] {strides = array<i32>} : memref<1024xi32, #tpu.memory_space<vmem>>, vector<16xi32>,
      %parallel_loop3A_20 = arith.constant 16 : i32
      %parallel_loop3A_21 = arith.muli %parallel_loop3A_15, %parallel_loop3A_20 : i32
      %parallel_loop3A_22 = arith.index_cast %parallel_loop3A_21 : i32 to index
      %parallel_loop3A_23 = tpu.vector_load %arg6[%parallel_loop3A_22] {strides = array<i32>} : memref<1024xi32, #tpu.memory_space<vmem>>, vector<16xi32>,
      %parallel_loop3A_24 = arith.constant true
      %parallel_loop3A_25 = vector.broadcast %parallel_loop3A_24 : i1 to vector<16xi1>
      %parallel_loop3A_26, %parallel_loop3A_27 = tpu.scan_count mask(%parallel_loop3A_25 : vector<16xi1>) value(%parallel_loop3A_19 : vector<16xi32>) : vector<16xi1>, vector<16xi32>
      tpu.vector_store_idx %arg7[%parallel_loop3A_19], %parallel_loop3A_27 masked %parallel_loop3A_26 {add = true} : memref<2048xi32, #tpu.memory_space<vmem>>[vector<16xi32>], vector<16xi32>, vector<16xi1>
      %parallel_loop3A_28 = arith.cmpi eq, %parallel_loop3A_19, %parallel_loop3A_23 : vector<16xi32>
      %parallel_loop3A_29, %parallel_loop3A_30 = tpu.scan_count mask(%parallel_loop3A_28 : vector<16xi1>) value(%parallel_loop3A_19 : vector<16xi32>) : vector<16xi1>, vector<16xi32>
      %parallel_loop3A_31 = arith.constant 1024 : i32
      %parallel_loop3A_32 = vector.broadcast %parallel_loop3A_31 : i32 to vector<16xi32>
      %parallel_loop3A_33 = arith.addi %parallel_loop3A_19, %parallel_loop3A_32 : vector<16xi32>
      tpu.vector_store_idx %arg7[%parallel_loop3A_33], %parallel_loop3A_30 masked %parallel_loop3A_29 {add = true} : memref<2048xi32, #tpu.memory_space<vmem>>[vector<16xi32>], vector<16xi32>, vector<16xi1>
    } {sc.loop_unroll_factor = 4 : i64, sc.parallel_access}
    "tpu.region"() ({
      %run_scoped3A = tpu.sem_alloc : memref<!tpu.dma_semaphore, #tpu.memory_space<semaphore_mem>>
      %dma_start3A_15 = arith.constant 0 : i32
      %dma_start3A_16 = tpu.memref_slice %arg4[%add3A, %dma_start3A_15] : memref<16x2048xi32, #tpu.memory_space<hbm>> -> memref<1x2048xi32, #tpu.memory_space<hbm>>
      %dma_start3A_17 = tpu.memref_squeeze %dma_start3A_16 : memref<1x2048xi32, #tpu.memory_space<hbm>> -> memref<2048xi32, #tpu.memory_space<hbm>>
      %dma_start3A_18 = arith.constant 0 : i32
      %dma_start3A_19 = tpu.memref_slice %arg4[%add3A, %dma_start3A_18] : memref<16x2048xi32, #tpu.memory_space<hbm>> -> memref<1x2048xi32, #tpu.memory_space<hbm>>
      %dma_start3A_20 = tpu.memref_squeeze %dma_start3A_19 : memref<1x2048xi32, #tpu.memory_space<hbm>> -> memref<2048xi32, #tpu.memory_space<hbm>>
      tpu.enqueue_dma source(%arg7 : memref<2048xi32, #tpu.memory_space<vmem>>) target(%dma_start3A_20 : memref<2048xi32, #tpu.memory_space<hbm>>) target_semaphore(%run_scoped3A : memref<!tpu.dma_semaphore, #tpu.memory_space<semaphore_mem>>)
      %dma_wait3A_21 = arith.constant 0 : i32
      %dma_wait3A_22 = tpu.memref_slice %arg4[%add3A, %dma_wait3A_21] : memref<16x2048xi32, #tpu.memory_space<hbm>> -> memref<1x2048xi32, #tpu.memory_space<hbm>>
      %dma_wait3A_23 = tpu.memref_squeeze %dma_wait3A_22 : memref<1x2048xi32, #tpu.memory_space<hbm>> -> memref<2048xi32, #tpu.memory_space<hbm>>
      %dma_wait3A_24 = arith.constant 0 : i32
      %dma_wait3A_25 = tpu.memref_slice %arg4[%add3A, %dma_wait3A_24] : memref<16x2048xi32, #tpu.memory_space<hbm>> -> memref<1x2048xi32, #tpu.memory_space<hbm>>
      %dma_wait3A_26 = tpu.memref_squeeze %dma_wait3A_25 : memref<1x2048xi32, #tpu.memory_space<hbm>> -> memref<2048xi32, #tpu.memory_space<hbm>>
      tpu.wait_dma2 semaphore(%run_scoped3A : memref<!tpu.dma_semaphore, #tpu.memory_space<semaphore_mem>>) src(%arg7 : memref<2048xi32, #tpu.memory_space<vmem>>) dst(%dma_wait3A_26 : memref<2048xi32, #tpu.memory_space<hbm>>)
      tpu.yield
    }) : () -> ()
    return
  }
}

module attributes {stable_mosaic.version = 14 : i64} {
  func.func @_combine_body(%arg0: memref<16x2048xi32, #tpu.memory_space<vmem>>, %arg1: memref<1x1xf32, #tpu.memory_space<vmem>>) attributes {dimension_semantics = [], scalar_prefetch = 0 : i64, scratch_operands = 0 : i64, tpu.core_type = #tpu.core_type<tc>} {
    %get3A = arith.constant 0 : index
    %get3A_0 = arith.constant 0 : index
    %get3A_1 = vector.load %arg0[%get3A, %get3A_0] : memref<16x2048xi32, #tpu.memory_space<vmem>>, vector<16x2048xi32>
    %convert_element_type3A = arith.sitofp %get3A_1 : vector<16x2048xi32> to vector<16x2048xf32>
    %slice3A = vector.extract_strided_slice %convert_element_type3A {offsets = [0, 0], sizes = [16, 1024], strides = [1, 1]} : vector<16x2048xf32> to vector<16x1024xf32>
    %reduce_sum3A = arith.constant dense<0.000000e+00> : vector<1024xf32>
    %reduce_sum3A_2 = vector.multi_reduction <add>, %slice3A, %reduce_sum3A [0] : vector<16x1024xf32> to vector<1024xf32>
    %broadcast_in_dim3A = vector.shape_cast %reduce_sum3A_2 : vector<1024xf32> to vector<1x1024xf32>
    %slice3A_3 = vector.extract_strided_slice %convert_element_type3A {offsets = [0, 1024], sizes = [16, 1024], strides = [1, 1]} : vector<16x2048xf32> to vector<16x1024xf32>
    %reduce_sum3A_4 = arith.constant dense<0.000000e+00> : vector<1024xf32>
    %reduce_sum3A_5 = vector.multi_reduction <add>, %slice3A_3, %reduce_sum3A_4 [0] : vector<16x1024xf32> to vector<1024xf32>
    %broadcast_in_dim3A_6 = vector.shape_cast %reduce_sum3A_5 : vector<1024xf32> to vector<1x1024xf32>
    %gt3A = arith.constant 0.000000e+00 : f32
    %gt3A_7 = vector.broadcast %gt3A : f32 to vector<1x1024xf32>
    %gt3A_8 = arith.cmpf ogt, %broadcast_in_dim3A, %gt3A_7 : vector<1x1024xf32>
    %jit3A = arith.constant 1.000000e+00 : f32
    %broadcast_in_dim3A_9 = vector.broadcast %jit3A : f32 to vector<1x1024xf32>
    %select_n3A = arith.select %gt3A_8, %broadcast_in_dim3A, %broadcast_in_dim3A_9 : vector<1x1024xi1>, vector<1x1024xf32>
    %div3A = arith.divf %broadcast_in_dim3A_6, %select_n3A : vector<1x1024xf32>
    %jit3A_10 = arith.constant 0.000000e+00 : f32
    %broadcast_in_dim3A_11 = vector.broadcast %jit3A_10 : f32 to vector<1x1024xf32>
    %select_n3A_12 = arith.select %gt3A_8, %div3A, %broadcast_in_dim3A_11 : vector<1x1024xi1>, vector<1x1024xf32>
    %reduce_sum3A_13 = vector.shape_cast %select_n3A_12 : vector<1x1024xf32> to vector<1x1x1024xf32>
    %reduce_sum3A_14 = arith.constant dense<0.000000e+00> : vector<1xf32>
    %reduce_sum3A_15 = vector.multi_reduction <add>, %reduce_sum3A_13, %reduce_sum3A_14 [1, 2] : vector<1x1x1024xf32> to vector<1xf32>
    %reduce_sum3A_16 = vector.shape_cast %reduce_sum3A_15 : vector<1xf32> to vector<1x1x1xf32>
    %reduce_sum3A_17 = vector.extract %reduce_sum3A_16[0, 0, 0] : f32 from vector<1x1x1xf32>
    %jit3A_18 = arith.constant 1.000000e+00 : f32
    %jit3A_19 = arith.constant 0.000000e+00 : f32
    %broadcast_in_dim3A_20 = vector.broadcast %jit3A_18 : f32 to vector<1x1024xf32>
    %broadcast_in_dim3A_21 = vector.broadcast %jit3A_19 : f32 to vector<1x1024xf32>
    %select_n3A_22 = arith.select %gt3A_8, %broadcast_in_dim3A_20, %broadcast_in_dim3A_21 : vector<1x1024xi1>, vector<1x1024xf32>
    %reduce_sum3A_23 = vector.shape_cast %select_n3A_22 : vector<1x1024xf32> to vector<1x1x1024xf32>
    %reduce_sum3A_24 = arith.constant dense<0.000000e+00> : vector<1xf32>
    %reduce_sum3A_25 = vector.multi_reduction <add>, %reduce_sum3A_23, %reduce_sum3A_24 [1, 2] : vector<1x1x1024xf32> to vector<1xf32>
    %reduce_sum3A_26 = vector.shape_cast %reduce_sum3A_25 : vector<1xf32> to vector<1x1x1xf32>
    %reduce_sum3A_27 = vector.extract %reduce_sum3A_26[0, 0, 0] : f32 from vector<1x1x1xf32>
    %div3A_28 = arith.divf %reduce_sum3A_17, %reduce_sum3A_27 : f32
    %broadcast_in_dim3A_29 = vector.broadcast %div3A_28 : f32 to vector<1x1xf32>
    %swap3A = arith.constant 0 : index
    %swap3A_30 = arith.constant 0 : index
    %swap3A_31 = vector.load %arg1[%swap3A, %swap3A_30] : memref<1x1xf32, #tpu.memory_space<vmem>>, vector<1x1xf32>
    tpu.vector_store %arg1[%swap3A, %swap3A_30], %broadcast_in_dim3A_29 {strides = array<i32>} : memref<1x1xf32, #tpu.memory_space<vmem>>, vector<1x1xf32>,
    return
  }
}

</mosaic_0001>

<sc_bundles>
// kernel: kernel.4.cloned.1.call-start
scs
__scs_entry_jumppad:
0x0: {  	(pc) =	sbr.rel $0x88, $3  }
0x1: {  	(tag) =	ssettag $0x0;
	lr =	simm.s32 $0x1  }
0x2: {  	[smem:$0x3F9F] =	sst lr;
	_ =	strace $0xD0000000  }
0x3: {  	_ = 	snop  }
0x4: {  	_ = 	snop  }
0x5: {  	_ = 	snop  }
0x6: {  	_ = 	snop  }
0x7: {  	_ = 	snop  }
__scs_overlays_trampoline_lowered:
0x8: {  	[smem:$0x3FAE] =	sst s0  }
0x9: {  	[smem:$0x3FAF] =	sst s1  }
0xa: {  	[smem:$0x3FB0] =	sst s2  }
0xb: {  	[smem:$0x3FB1] =	sst s3  }
0xc: {  	[smem:$0x3FB2] =	sst s4  }
0xd: {  	[smem:$0x3FB3] =	sst s5  }
0xe: {  	[smem:$0x3FB4] =	sst s6  }
0xf: {  	[smem:$0x3FB5] =	sst s7  }
0x10: {  	[smem:$0x3FB6] =	sst s8  }
0x11: {  	[smem:$0x3FB7] =	sst s9;
	s0 =	simm.s32 @!p0 $0x0  }
0x12: {  	s1 =	sld [smem:$0x3F9D];
	s0 =	simm.s32 @p0 $0x1  }
0x13: {  	[smem:$0x3FB8] =	sst s0;
	s0 =	simm.s32 @!p1 $0x0  }
0x14: {  	s2 =	sld [smem:$0x3F9C];
	s0 =	simm.s32 @p1 $0x1  }
0x15: {  	[smem:$0x3FB9] =	sst s0;
	s0 =	simm.s32 @!p2 $0x0  }
0x16: {  	s3 =	sld [smem:$0x3FDB];
	s0 =	simm.s32 @p2 $0x1  }
0x17: {  	s4 =	simm.s32 $0x1BF5;
	[smem:$0x3FBB] =	sst s0  }
0x18: {  	s0 =	sld [smem:$0x3F9E];
	_ =	swait.ge [sflag:s4], $0x0  }
0x19: {  	s7 =	sld [smem:$0x3F9F]  }
0x1a: {  	s8 =	sadd.s32 $0xFFFFE003, lr  }
0x1b: {  	s9 =	sadd.s32 $0xFFFFFEF7, lr;
	s5 =	simm.s32 $0xFFFFFFFF;
	p2 =	slt.u32 s8, $0xFFFFF086  }
0x1c: {  	p1 =	slt.u32 s9, $0xF7A;
	s5 =	simm.s32 @!p2 $0x0  }
0x1d: {  	s5 =	simm.s32 @p1 $0x1;
	p0 =	seq.s32 s7, s2  }
0x1e: {  	s7 =	smul.u32 @!p0 $0xF7A, s2;
	p2 =	seq.s32 @!p0 s5, $0x0  }
0x1f: {  	s9 =	smul.u32 $0xF7A, s1;
	s8 =	simm.s32 @!p0 $0x1BF5;
	p2 =	por !p2, p0  }
0x20: {  	[sflag:s8] =	ssyncset.s32 @!p0 $0xFFFFF086;
	s6 =	sadd.s32 @!p0 s3, s7;
	s7 =	simm.s32 @!p0 $0x108  }
0x21: {  	s3 =	sadd.s32 s3, s9;
	s6 =	sadd.s32 @!p0 $0x88, s6;
	s7 =	simm.s32 @p2 $0x1082  }
0x22: {  	[simem:s7], [sflag:s8] =	dma.local @!p0 [hbm:s6], $0xF7A  }
0x23: {  	s9 =	sor.u32 $0xD0000000, s2;
	s6 =	simm.s32 $0x108;
	_ =	swait.ge @!p0 [sflag:s8], $0x0  }
0x24: {  	s3 =	sadd.s32 $0x88, s3;
	s6 =	simm.s32 @!p1 $0x1082;
	[sflag:s4] =	ssyncset.s32 $0xFFFFF086  }
0x25: {  	[simem:s6], [sflag:s4] =	dma.local [hbm:s3], $0xF7A  }
0x26: {  	[smem:$0x3F9F] =	sst s1;
	(tag) =	ssettag s2;
	_ =	strace s9  }
0x27: {  	s1 =	sld [smem:$0x3FAF]  }
0x28: {  	s2 =	sld [smem:$0x3FB0]  }
0x29: {  	s4 =	sld [smem:$0x3FB2]  }
0x2a: {  	p0 =	seq.s32 s5, $0x0;
	s5 =	sld [smem:$0x3FB3]  }
0x2b: {  	s6 =	sld [smem:$0x3FB4]  }
0x2c: {  	s7 =	sld [smem:$0x3FB5]  }
0x2d: {  	s3 =	simm.s32 $0x108;
	s8 =	sld [smem:$0x3FB6]  }
0x2e: {  	s3 =	simm.s32 @!p0 $0x1082;
	s9 =	sld [smem:$0x3FB7]  }
0x2f: {  	lr =	sadd.s32 s0, s3;
	s0 =	sld [smem:$0x3FAE]  }
0x30: {  	s3 =	sld [smem:$0x3FB1]  }
0x31: {  	[smem:$0x3FBA] =	sst s10  }
0x32: {  	s10 =	sld [smem:$0x3FB8];
	_ =	sdelay $0x3  }
0x33: {  	p0 =	seq.s32 s10, $0x1;
	s10 =	sld [smem:$0x3FBA];
	_ =	sdelay $0x3  }
0x34: {  	[smem:$0x3FBA] =	sst s10  }
0x35: {  	s10 =	sld [smem:$0x3FB9];
	_ =	sdelay $0x3  }
0x36: {  	p1 =	seq.s32 s10, $0x1;
	s10 =	sld [smem:$0x3FBA];
	_ =	sdelay $0x3  }
0x37: {  	[smem:$0x3FBA] =	sst s10  }
0x38: {  	s10 =	sld [smem:$0x3FBB]  }
0x39: {  	_ = 	snop;
	(pc) =	sbr.ind lr, $3  }
0x3a: {  	_ = 	snop  }
0x3b: {  	_ = 	snop  }
0x3c: {  	p2 =	seq.s32 s10, $0x1;
	s10 =	sld [smem:$0x3FBA]  }
0x3d: {  	_ =	shalt  }
0x3e: {  	_ =	shalt  }
0x3f: {  	_ =	shalt  }
0x40: {  	_ =	shalt  }
0x41: {  	_ =	shalt  }
0x42: {  	_ =	shalt  }
0x43: {  	_ =	shalt  }
0x44: {  	_ =	shalt  }
0x45: {  	_ =	shalt  }
0x46: {  	_ =	shalt  }
0x47: {  	_ =	shalt  }
0x48: {  	_ =	shalt  }
0x49: {  	_ =	shalt  }
0x4a: {  	_ =	shalt  }
0x4b: {  	_ =	shalt  }
0x4c: {  	_ =	shalt  }
0x4d: {  	_ =	shalt  }
0x4e: {  	_ =	shalt  }
0x4f: {  	_ =	shalt  }
0x50: {  	_ =	shalt  }
0x51: {  	_ =	shalt  }
0x52: {  	_ =	shalt  }
0x53: {  	_ =	shalt  }
0x54: {  	_ =	shalt  }
0x55: {  	_ =	shalt  }
0x56: {  	_ =	shalt  }
0x57: {  	_ =	shalt  }
0x58: {  	_ =	shalt  }
0x59: {  	_ =	shalt  }
0x5a: {  	_ =	shalt  }
0x5b: {  	_ =	shalt  }
0x5c: {  	_ =	shalt  }
0x5d: {  	_ =	shalt  }
0x5e: {  	_ =	shalt  }
0x5f: {  	_ =	shalt  }
0x60: {  	_ =	shalt  }
0x61: {  	_ =	shalt  }
0x62: {  	_ =	shalt  }
0x63: {  	_ =	shalt  }
0x64: {  	_ =	shalt  }
0x65: {  	_ =	shalt  }
0x66: {  	_ =	shalt  }
0x67: {  	_ =	shalt  }
0x68: {  	_ =	shalt  }
0x69: {  	_ =	shalt  }
0x6a: {  	_ =	shalt  }
0x6b: {  	_ =	shalt  }
0x6c: {  	_ =	shalt  }
0x6d: {  	_ =	shalt  }
0x6e: {  	_ =	shalt  }
0x6f: {  	_ =	shalt  }
0x70: {  	_ =	shalt  }
0x71: {  	_ =	shalt  }
0x72: {  	_ =	shalt  }
0x73: {  	_ =	shalt  }
0x74: {  	_ =	shalt  }
0x75: {  	_ =	shalt  }
0x76: {  	_ =	shalt  }
0x77: {  	_ =	shalt  }
0x78: {  	_ =	shalt  }
0x79: {  	_ =	shalt  }
0x7a: {  	_ =	shalt  }
0x7b: {  	_ =	shalt  }
0x7c: {  	_ =	shalt  }
0x7d: {  	_ =	shalt  }
0x7e: {  	_ =	shalt  }
0x7f: {  	_ =	shalt  }
0x80: {  	_ =	shalt  }
0x81: {  	_ =	shalt  }
0x82: {  	_ =	shalt  }
0x83: {  	_ =	shalt  }
0x84: {  	_ =	shalt  }
0x85: {  	_ =	shalt  }
0x86: {  	_ =	shalt  }
0x87: {  	_ =	shalt  }
.Lfunc_end0:
.L_simem_size_0:
called_computation_lowered:
.L_overlay_start_0:
0x88: {  	s0 =	sld [smem:$0x3FD9]  }
0x89: {  	s1 =	sld [smem:$0x3FFE];
	_ =	sdelay $0x3  }
0x8a: {  	s0 =	sadd.s32 s1, s0  }
0x8b: {  	[smem:$0x3FC6] =	sst s0  }
0x8c: {  	_ = 	snop  }
0x8d: {  	s0 =	sld [smem:$0x3FC9]  }
0x8e: {  	s16 =	sld [smem:$0x3FC8];
	(tm) =	ssettm $0x1  }
0x8f: {  	s2 =	sld [smem:$0x3FFB];
	_ =	sdelay $0x3  }
0x90: {  	_ =	strace s2  }
0x91: {  	s2 =	sld [smem:$0x3FFC];
	_ =	sdelay $0x3  }
0x92: {  	_ =	strace s2  }
0x93: {  	s2 =	sld [smem:$0x3FFD];
	_ =	sdelay $0x3  }
0x94: {  	_ =	strace s2  }
0x95: {  	_ =	strace $0x8FFFFFFF  }
0x96: {  	s17 =	sld [smem:$0x3FDB];
	_ =	sdelay $0x1  }
0x97: {  	s3 =	simm.s32 $_scs_section_size  }
0x98: {  	s4 =	simm.s32 $_size__tile_overlayer_lowered;
	s5 =	simm.s32 $_tile_overlayer_lowered  }
0x99: {  	s20 =	simm.s32 $0x1BFF;
	s19 =	sshll.u32 s5, $0x1;
	s2 =	sadd.s32 s3, s17  }
0x9a: {  	s6 =	simm.s32 $0x0;
	s18 =	sshll.u32 s4, $0x1;
	s4 =	sadd.s32 s19, s2  }
0x9b: {  	[timem:s6], [sflag:s20] =	dma.local [hbm:s4], s18  }
0x9c: {  	_ =	swait.ge [sflag:s20], s18  }
0x9d: {  	s3 =	ssub.s32 $0x0, s18;
	[sflag:s20] =	ssyncset.done $0x0  }
0x9e: {  	[sflag:s20] =	ssyncadd.s32 s3;
	_ =	sdelay $0x1  }
0x9f: {  	s21 =	simm.s32 $0x1B8B  }
0xa0: {  	_ =	swait.ge [sflag:s21], $0x1  }
0xa1: {  	[sflag:s21] =	ssyncset.done $0x0  }
0xa2: {  	s23 =	simm.s32 $0x1B8E;
	s22 =	sld [smem:$0x3FFE];
	[sflag:s21] =	ssyncadd.s32 $0xFFFFFFFF  }
0xa3: {  	s24 =	simm.s32 $execute0_lowered;
	[smem:$0x3FD2] =	sst s23  }
0xa4: {  	s4 =	sshll.u32 s24, $0x1;
	_ =	strace $0x80000046;
	[dreg:$0x1] =	wrdreg $0xFFFFFFFF  }
0xa5: {  	s25 =	simm.s32 $_size_execute0_lowered;
	s2 =	sadd.s32 s2, s4;
	[dreg:$0x0] =	wrdreg $0x0  }
0xa6: {  	s4 =	sshll.u32 s25, $0x1;
	[dreg:$0x2] =	wrdreg s2  }
0xa7: {  	[dreg:$0x3] =	wrdreg s4  }
0xa8: {  	[dreg:$0x4] =	wrdreg $0xC0  }
0xa9: {  	_ =	task [dreg:s6], $0x5FFFF  }
0xaa: {  	[dreg:$0x1] =	wrdreg $0xFFFFFFFF  }
0xab: {  	[dreg:$0x0] =	wrdreg $0x60  }
0xac: {  	[dreg:$0x2] =	wrdreg s0  }
0xad: {  	[dreg:$0x3] =	wrdreg s16  }
0xae: {  	[dreg:$0x4] =	wrdreg s22  }
0xaf: {  	[dreg:$0x5] =	wrdreg $0x9  }
0xb0: {  	_ =	task.clear_ibuf [dreg:s6], $0x6FFFF;
	_ =	strace $0x90000046  }
0xb1: {  	s26 =	simm.s32 $0x9;
	_ =	strace $0x80000048  }
0xb2: {  	_ =	swait.ge [sflag:s26], $0x1  }
0xb3: {  	[sflag:s26] =	ssyncadd.s32 $0xFFFFFFFF  }
0xb4: {  	_ =	strace $0x90000048  }
0xb5: {  	_ =	sfence  }
0xb6: {  	s28 =	sld [smem:$0x0];
	_ =	sdelay $0x1  }
0xb7: {  	s29 =	srdreg.scid  }
0xb8: {  	s30 =	sshll.u32 s29, $0xD;
	s31 =	sshrl.u32 s29, $0x2  }
0xb9: {  	s1 =	sand.u32 $0x1, s29;
	s2 =	sand.u32 $0x4000, s30;
	s0 =	sadd.s32 s31, s28  }
0xba: {  	s1 =	sor.u32 s2, s1;
	s0 =	sshll.u32 s0, $0x11  }
0xbb: {  	s0 =	sor.u32 s0, s1  }
0xbc: {  	s0 =	sadd.s32 $0x8F2B, s0  }
0xbd: {  	[sflag:s0] =	ssyncadd.remote.s32 $0x1  }
0xbe: {  	_ =	sfence.sel $0xFFFF  }
0xbf: {  	[dreg:$0x0] =	wrdreg $0xFFFFFFFF;
	(pc) =	sbr.abs _section_cstart, $3  }
0xc0: {  	[dreg:$0x1] =	wrdreg $0xFFFFFFFF  }
0xc1: {  	_ =	task.clear_ibuf [dreg:s6], $0x2FFFF;
	_ =	strace $0x9FFFFFFF  }
0xc2: {  	(tm) =	ssettm $0x7FFFFFFF  }
0xc3: {  	_ =	shalt  }
tec
execute0_lowered:
.L_overlay_start_1:
0x0: {  	(tag) =	ssettag $0x1  }
0x1: {  	s3 =	rddreg [dreg:$0x0]  }
0x2: {  	s4 =	rddreg [dreg:$0x1]  }
0x3: {  	s5 =	rddreg [dreg:$0x2];
	s6 =	simm.s32 $0x0;
	s1 =	stileid.u32  }
0x4: {  	[smem:$0x7FF] =	sst s6;
	s2 =	sshll.u32 s1, $0x7  }
0x5: {  	s0 =	rddreg [dreg:$0x3];
	_ =	strace $0x80000047;
	s4 =	sadd.s32 s4, s2  }
0x6: {  	[tilespmem:s6], [sflag:$0x1] =	stream.linear.gather [hbm4b:s4+s6], $0x400, $0x38;
	[tilespmem:$0x1000] =	vst v63  }
0x7: {  	s31 =	simm.s32 $0x400;
	s3 =	sadd.s32 s3, s2;
	s4 =	simm.s32 $0x840  }
0x8: {  	v0 =	vimm.s32 $0x0;
	[tilespmem:s31], [sflag:$0x1] =	stream.linear.gather [hbm4b:s3+s6], $0x400, $0x38;
	[tilespmem:$0x1000] =	vst v63  }
0x9: {  	[tilespmem:s4+$0xFFFFFFC0] =	vst v0  }
0xa: {  	[tilespmem:s4+$0x30] =	vst v0  }
0xb: {  	[tilespmem:s4+$0x20] =	vst v0  }
0xc: {  	[tilespmem:s4+$0x10] =	vst v0  }
0xd: {  	[tilespmem:s4+$0x0] =	vst v0  }
0xe: {  	[tilespmem:s4+$0xFFFFFFF0] =	vst v0  }
0xf: {  	s3 =	sadd.s32 $0x600, s5;
	s5 =	simm.s32 $0x0;
	[tilespmem:s4+$0xFFFFFFE0] =	vst v0  }
.LBB2_1:
0x10: {  	s5 =	sadd.s32 $0x8, s5;
	[tilespmem:s4+$0xFFFFFFD0] =	vst v0;
	s4 =	sadd.s32 $0x80, s4  }
0x11: {  	[tilespmem:s4+$0xFFFFFFC0] =	vst v0;
	p0 =	slt.u32 s5, $0x78  }
0x12: {  	[tilespmem:s4+$0x30] =	vst v0  }
.Ltmp0:
0x13: {  	[tilespmem:s4+$0x20] =	vst v0;
	(pc) =	sbr.rel @p0 .LBB2_1-.Ltmp0, $4  }
0x14: {  	[tilespmem:s4+$0x10] =	vst v0  }
0x15: {  	[tilespmem:s4+$0x0] =	vst v0  }
0x16: {  	[tilespmem:s4+$0xFFFFFFF0] =	vst v0  }
0x17: {  	[tilespmem:s4+$0xFFFFFFE0] =	vst v0  }
0x18: {  	[tilespmem:s4+$0xFFFFFFD0] =	vst v0;
	s28 =	simm.s32 $0x1  }
0x19: {  	_ =	swait.ge [sflag:s28], $0x400  }
0x1a: {  	[sflag:s28] =	ssyncset.done $0x0  }
0x1b: {  	[sflag:s28] =	ssyncadd.s32 $0xFFFFFC00  }
0x1c: {  	_ =	swait.ge [sflag:s28], $0x400  }
0x1d: {  	[sflag:s28] =	ssyncset.done $0x0  }
0x1e: {  	s29 =	simm.s32 $0x20;
	[sflag:s28] =	ssyncadd.s32 $0xFFFFFC00  }
0x1f: {  	v8 =	vld [tilespmem:s29+$0xFFFFFFF0];
	_ =	sdelay $0x2  }
0x20: {  	v9 =	vld [tilespmem:s29+$0x0]  }
0x21: {  	s5 =	simm.s32 $0x420  }
0x22: {  	v1 =	vld [tilespmem:s5+$0x0];
	(xrf1) =	vunique.msk.u32 $0xffff, v8  }
0x23: {  	v2 =	vld [tilespmem:s5+$0xFFFFFFF0]  }
0x24: {  	v0 =	vld [tilespmem:s29+$0xFFFFFFE0]  }
0x25: {  	(xrf1) =	vunique.msk.u32 $0xffff, v9;
	_ =	sdelay $0x1  }
0x26: {  	vm0 =	veq.s32 v9, v1;
	v1 =	vld [tilespmem:s29+$0x10]  }
0x27: {  	(xrf1) =	vunique.msk.u32 vm0, v9  }
0x28: {  	vm0 =	veq.s32 v8, v2;
	(xrf1) =	vunique.msk.u32 $0xffff, v0  }
0x29: {  	v4 =	vld [tilespmem:s5+$0x10];
	(xrf1) =	vunique.msk.u32 vm0, v8;
	_ =	sdelay $0x1  }
0x2a: {  	(xrf1) =	vunique.msk.u32 $0xffff, v1  }
0x2b: {  	v5 =	vld [tilespmem:s5+$0xFFFFFFE0];
	_ =	sdelay $0x1  }
0x2c: {  	s30 =	simm.s32 $0x60;
	vm1 =	veq.s32 v1, v4  }
0x2d: {  	s31 =	simm.s32 $0x460;
	v3 =	vld [tilespmem:s30+$0xFFFFFFF0];
	_, v7, vm0 =	vpop (xrf1);
	(xrf1) =	vunique.msk.u32 vm1, v1  }
0x2e: {  	v6 =	vld [tilespmem:s31+$0x0]  }
0x2f: {  	vm2 =	veq.s32 v0, v5;
	v2 =	vld [tilespmem:s30+$0x0]  }
0x30: {  	v10 =	vld [tilespmem:s31+$0xFFFFFFF0];
	_, v11, vm3 =	vpop (xrf1);
	(xrf1) =	vunique.msk.u32 vm2, v0  }
0x31: {  	v4 =	vld [tilespmem:s30+$0xFFFFFFE0]  }
0x32: {  	v12 =	vld [tilespmem:s31+$0x10];
	(xrf1) =	vunique.msk.u32 $0xffff, v3  }
0x33: {  	s4 =	simm.s32 $0x800;
	v5 =	vld [tilespmem:s30+$0x10];
	_, v13, vm4 =	vpop (xrf1)  }
0x34: {  	v14 =	vadd.s32 $0x400, v9;
	vm1 =	veq.s32 v2, v6;
	(xrf1) =	vunique.msk.u32 $0xffff, v2;
	[tilespmem:v8+s4+$0x0] =	vst.idx.add.s32.msk vm0, v7;
	_, v6, vm0 =	vpop (xrf1)  }
0x35: {  	(xrf1) =	vunique.msk.u32 vm1, v2;
	_, v7, vm1 =	vpop (xrf1)  }
0x36: {  	vm2 =	veq.s32 v3, v10;
	(xrf1) =	vunique.msk.u32 $0xffff, v4;
	[tilespmem:v9+s4+$0x0] =	vst.idx.add.s32.msk vm3, v11;
	v9 =	vadd.s32 $0x400, v8  }
0x37: {  	v10 =	vld [tilespmem:s31+$0xFFFFFFE0];
	(xrf1) =	vunique.msk.u32 vm2, v3;
	_, v8, vm2 =	vpop (xrf1)  }
0x38: {  	(xrf1) =	vunique.msk.u32 $0xffff, v5  }
0x39: {  	s6 =	simm.s32 $0x4A0;
	s7 =	simm.s32 $0xA0;
	s5 =	simm.s32 $0x4;
	vm3 =	veq.s32 v5, v12;
	[tilespmem:v14+s4+$0x0] =	vst.idx.add.s32.msk vm4, v13  }
.LBB2_3:
0x3a: {  	s5 =	sadd.s32 $0x4, s5;
	[tilespmem:v0+s4+$0x0] =	vst.idx.add.s32.msk vm0, v6  }
0x3b: {  	p0 =	slt.u32 s5, $0x3C;
	[tilespmem:v9+s4+$0x0] =	vst.idx.add.s32.msk vm1, v7;
	_, v7, vm1 =	vpop (xrf1)  }
0x3c: {  	v11 =	vld [tilespmem:s7+$0xFFFFFFF0];
	vm0 =	veq.s32 v4, v10  }
0x3d: {  	(xrf1) =	vunique.msk.u32 vm3, v5;
	[tilespmem:v1+s4+$0x0] =	vst.idx.add.s32.msk vm2, v8  }
0x3e: {  	v6 =	vld [tilespmem:s6+$0x0];
	_, v8, vm2 =	vpop (xrf1)  }
0x3f: {  	v9 =	vadd.s32 $0x400, v0;
	v0 =	vmovc v4;
	v10 =	vadd.s32 $0x400, v1;
	v1 =	vmov v5;
	v12 =	vld [tilespmem:s7+$0x0]  }
0x40: {  	v13 =	vld [tilespmem:s6+$0xFFFFFFF0];
	(xrf1) =	vunique.msk.u32 vm0, v0;
	_, v14, vm3 =	vpop (xrf1)  }
0x41: {  	v4 =	vld [tilespmem:s7+$0xFFFFFFE0]  }
0x42: {  	v15 =	vld [tilespmem:s6+$0x10];
	(xrf1) =	vunique.msk.u32 $0xffff, v11;
	_, v16, vm4 =	vpop (xrf1)  }
0x43: {  	v5 =	vld [tilespmem:s7+$0x10];
	_, v17, vm5 =	vpop (xrf1)  }
0x44: {  	v18 =	vadd.s32 $0x400, v2;
	vm6 =	veq.s32 v12, v6;
	(xrf1) =	vunique.msk.u32 $0xffff, v12;
	_, v6, vm0 =	vpop (xrf1);
	[tilespmem:v10+s4+$0x0] =	vst.idx.add.s32.msk vm1, v7  }
.Ltmp1:
0x45: {  	vm7 =	veq.s32 v11, v13;
	(xrf1) =	vunique.msk.u32 vm6, v12;
	_, v7, vm1 =	vpop (xrf1);
	[tilespmem:v9+s4+$0x0] =	vst.idx.add.s32.msk vm2, v8;
	(pc) =	sbr.rel @p0 .LBB2_3-.Ltmp1, $4  }
0x46: {  	v9 =	vadd.s32 $0x400, v3;
	(xrf1) =	vunique.msk.u32 $0xffff, v4;
	[tilespmem:v3+s4+$0x0] =	vst.idx.add.s32.msk vm3, v14;
	_, v8, vm2 =	vpop (xrf1);
	v3 =	vmov v11  }
0x47: {  	v10 =	vld [tilespmem:s6+$0xFFFFFFE0];
	(xrf1) =	vunique.msk.u32 vm7, v3  }
0x48: {  	vm3 =	veq.s32 v5, v15;
	(xrf1) =	vunique.msk.u32 $0xffff, v5;
	[tilespmem:v2+s4+$0x0] =	vst.idx.add.s32.msk vm4, v16;
	v2 =	vmov v12  }
0x49: {  	s7 =	sadd.s32 $0x40, s7;
	s6 =	sadd.s32 $0x40, s6;
	[tilespmem:v18+s4+$0x0] =	vst.idx.add.s32.msk vm5, v17  }
0x4a: {  	_ =	sdelay $0x1  }
0x4b: {  	(xrf1) =	vunique.msk.u32 vm3, v5;
	vm4 =	veq.s32 v4, v10  }
0x4c: {  	(xrf1) =	vunique.msk.u32 vm4, v4;
	_ =	sdelay $0x4  }
0x4d: {  	_, v55, vm10 =	vpop (xrf1)  }
0x4e: {  	v12 =	vadd.s32 $0x400, v1;
	_, v11, vm11 =	vpop (xrf1)  }
0x4f: {  	v13 =	vadd.s32 $0x400, v0;
	_, v14, vm5 =	vpop (xrf1)  }
0x50: {  	[tilespmem:v0+s4+$0x0] =	vst.idx.add.s32.msk vm0, v6;
	_, v0, vm0 =	vpop (xrf1)  }
0x51: {  	[tilespmem:v9+s4+$0x0] =	vst.idx.add.s32.msk vm1, v7;
	_, v56, vm12 =	vpop (xrf1)  }
0x52: {  	[tilespmem:v1+s4+$0x0] =	vst.idx.add.s32.msk vm2, v8;
	v57 =	vadd.s32 $0x400, v2;
	_, v58, vm13 =	vpop (xrf1)  }
0x53: {  	[tilespmem:v12+s4+$0x0] =	vst.idx.add.s32.msk vm10, v55;
	_, v59, vm14 =	vpop (xrf1)  }
0x54: {  	v60 =	vadd.s32 $0x400, v3;
	[tilespmem:v13+s4+$0x0] =	vst.idx.add.s32.msk vm11, v11;
	_, v61, vm15 =	vpop (xrf1)  }
0x55: {  	[tilespmem:v3+s4+$0x0] =	vst.idx.add.s32.msk vm5, v14;
	_, v3, vm5 =	vpop (xrf1)  }
0x56: {  	v62 =	vadd.s32 $0x400, v5;
	[tilespmem:v2+s4+$0x0] =	vst.idx.add.s32.msk vm0, v0;
	_, v0, vm0 =	vpop (xrf1)  }
0x57: {  	v63 =	vadd.s32 $0x400, v4;
	[tilespmem:v57+s4+$0x0] =	vst.idx.add.s32.msk vm12, v56  }
0x58: {  	s5 =	sshll.u32 s1, $0xB;
	[tilespmem:v4+s4+$0x0] =	vst.idx.add.s32.msk vm13, v58  }
0x59: {  	s2 =	sor.u32 s2, s5;
	[tilespmem:v60+s4+$0x0] =	vst.idx.add.s32.msk vm14, v59  }
0x5a: {  	s2 =	sand.u32 $0x4380, s2;
	[tilespmem:v5+s4+$0x0] =	vst.idx.add.s32.msk vm15, v61  }
0x5b: {  	s28 =	simm.s32 $0x80;
	s29 =	simm.s32 $0x400;
	s2 =	sshrl.u32 s2, $0x3;
	[tilespmem:v62+s4+$0x0] =	vst.idx.add.s32.msk vm5, v3  }
0x5c: {  	s30 =	simm.s32 $0x800;
	s31 =	simm.s32 $0x2;
	s2 =	sadd.s32 s3, s2;
	[tilespmem:v63+s4+$0x0] =	vst.idx.add.s32.msk vm0, v0  }
0x5d: {  	[hbm4b:s2+s28] =	stream.strided.scatter [tilespmem:s30], [sflag:$0x2], $0x800, s29, s28, $0x38;
	[tilespmem:$0x1000] =	vst v63  }
0x5e: {  	_ =	swait.ge [sflag:s31], $0x800  }
0x5f: {  	[sflag:s31] =	ssyncset.done $0x0  }
0x60: {  	[sflag:s31] =	ssyncadd.s32 $0xFFFFF800  }
0x61: {  	_ =	sfence.sel $0x180000  }
0x62: {  	[bflag:$0x0] =	sbarrier.arrive $0xFFFF  }
0x63: {  	p0 =	sne.s32 s1, $0x0;
	_ =	strace $0x90000047  }
0x64: {  	s0 =	sadd.s32 @!p0 $0x100000, s0;
	[bflag:$0x2] =	sbarrier.arrive $0xFFFF  }
0x65: {  	[sflag:s0] =	ssyncadd.tile.s32 @!p0 $0x1;
	_ =	shalt  }
.Lfunc_end2:
_tile_overlayer_lowered:
.L_overlay_start_2:
0x66: {  	(tag) =	ssettag $0x2  }
0x67: {  	s0 =	rddreg [dreg:$0x0];
	s2 =	stileid.u32  }
0x68: {  	s1 =	rddreg [dreg:$0x1];
	p0 =	sne.s32 s2, $0x0  }
0x69: {  	s3 =	rddreg [dreg:$0x2];
	[bflag:$0x3] =	sbarrier.arrive $0xFFFF;
	s2 =	simm.s32 @!p0 $0x1C02  }
0x6a: {  	[timem:s3], [sflag:s2] =	dma.local @!p0 [hbm:s0], s1  }
0x6b: {  	s0 =	simm.s32 @!p0 $0x2  }
0x6c: {  	_ =	swait.ge @!p0 [sflag:s0], s1  }
0x6d: {  	s1 =	ssub.s32 @!p0 $0x0, s1;
	[sflag:s0] =	ssyncset.done @!p0 $0x0  }
0x6e: {  	[sflag:s0] =	ssyncadd.s32 @!p0 s1  }
0x6f: {  	[bflag:$0x3] =	sbarrier.arrive $0xFFFF  }
0x70: {  	_ =	shalt  }

</sc_bundles>
